<compile_context>
chip_gen: v7x
topology: tpu7x:2x2x1
jax: 0.10.2.dev20260603
libtpu: 0.0.44.dev20260713+nightly
codegen_flags: <defaults>
</compile_context>

<pallas_src>
import jax
import jax.numpy as jnp
from jax import lax
from jax.experimental import pallas as pl
from jax.experimental.pallas import tpu as pltpu
from jax.experimental.pallas import tpu_sc as plsc

VOCAB = 8192
BATCH = 4
SEQ = 2048
D = VOCAB
NC, NS = 2, 16
NW = NC * NS
B = BATCH * SEQ
B_PER_W = B // NW
CHUNK = 4
NBUF = 3
NCHUNK = B_PER_W // CHUNK
NROUND = -(-NCHUNK // NBUF) * NBUF


def _gather_body(table_hbm, ctx_hbm, out_hbm, idx_v, rows, gsems, ssems):
    wid = lax.axis_index("s") * NC + lax.axis_index("c")
    base = wid * B_PER_W
    pltpu.sync_copy(ctx_hbm.at[wid], idx_v)

    def start_gather(g, b):
        return pltpu.async_copy(table_hbm.at[idx_v.at[g]], rows[b], gsems[b])

    def out_slice(g):
        return out_hbm.at[pl.ds(base + g * CHUNK, CHUNK)]

    for b in range(NBUF):
        start_gather(b, b)

    @pl.loop(0, NROUND, step=NBUF)
    def _(g0):
        for b in range(NBUF):
            g = g0 + b

            @pl.when(g < NCHUNK)
            def _():
                pltpu.make_async_copy(
                    table_hbm.at[idx_v.at[g]], rows[b], gsems[b]
                ).wait()
                out_copy = pltpu.async_copy(rows[b], out_slice(g), ssems[b])
                @pl.when(g + NBUF < NCHUNK)
                def _():
                    out_copy.wait()
                    start_gather(g + NBUF, b)

    for b in range(NBUF):
        g = NCHUNK - 1 - ((NCHUNK - 1 - b) % NBUF)
        pltpu.make_async_copy(rows[b], out_slice(g), ssems[b]).wait()


@jax.jit
def _sc_gather(ctx3, table):
    mesh = plsc.VectorSubcoreMesh(core_axis_name="c", subcore_axis_name="s")
    scratch = (
        pltpu.VMEM((NCHUNK, CHUNK), jnp.int32),
        tuple(pltpu.VMEM((CHUNK, D), jnp.float32) for _ in range(NBUF)),
        tuple(pltpu.SemaphoreType.DMA for _ in range(NBUF)),
        tuple(pltpu.SemaphoreType.DMA for _ in range(NBUF)),
    )
    run = pl.kernel(
        _gather_body,
        out_type=jax.ShapeDtypeStruct((B, D), jnp.float32),
        mesh=mesh,
        scratch_types=scratch,
    )
    return run(table, ctx3)


def kernel(context, table):
    ctx3 = context.astype(jnp.int32).reshape(NW, NCHUNK, CHUNK)
    out = _sc_gather(ctx3, table)
    return out.reshape(BATCH, SEQ, D)

# --- scband reference (transcript-rebuilt; emitter-appended) ---
"""Pipeline reference for scband-bigram-language-model-44822278701371 (READ-ONLY COPY).

The authoritative reference and input builder live on the scoring server;
editing this copy changes nothing except your own understanding.
"""

import jax, jax.numpy as jnp
import numpy as np

VOCAB = 8192
BATCH = 4
SEQ = 2048


def setup_inputs(seed: int = 0) -> dict:
    key = jax.random.key(seed)
    k1, k2 = jax.random.split(key)
    context = jax.random.randint(k1, (BATCH, SEQ), 0, VOCAB, dtype=jnp.int64 if jax.config.jax_enable_x64 else jnp.int32)
    table = jax.random.normal(k2, (VOCAB, VOCAB), dtype=jnp.float32)
    return {"context": context, "table": table}


def reference(context, table):
    # nn.Embedding lookup: logits = token_embedding_table(context)
    logits = jnp.take(table, context, axis=0)
    return logits

if __name__ == "__main__":
    import jax
    _d = setup_inputs()
    print(jax.jit(kernel)(*tuple(_d.values())))

</pallas_src>

<mosaic_0001>
#map = affine_map<(d0, d1) -> (0, 0)>
#map1 = affine_map<(d0, d1) -> (0, 0, 0)>
module attributes {stable_mosaic.version = 14 : i64} {
  func.func @_gather_body(%arg0: i32, %arg1: i32, %arg2: memref<8192x8192xf32, #tpu.memory_space<hbm>>, %arg3: memref<32x64x4xi32, #tpu.memory_space<hbm>>, %arg4: memref<8192x8192xf32, #tpu.memory_space<hbm>>, %arg5: memref<64x4xi32, #tpu.memory_space<vmem>>, %arg6: memref<4x8192xf32, #tpu.memory_space<vmem>>, %arg7: memref<4x8192xf32, #tpu.memory_space<vmem>>, %arg8: memref<4x8192xf32, #tpu.memory_space<vmem>>, %arg9: memref<!tpu.dma_semaphore, #tpu.memory_space<semaphore_mem>>, %arg10: memref<!tpu.dma_semaphore, #tpu.memory_space<semaphore_mem>>, %arg11: memref<!tpu.dma_semaphore, #tpu.memory_space<semaphore_mem>>, %arg12: memref<!tpu.dma_semaphore, #tpu.memory_space<semaphore_mem>>, %arg13: memref<!tpu.dma_semaphore, #tpu.memory_space<semaphore_mem>>, %arg14: memref<!tpu.dma_semaphore, #tpu.memory_space<semaphore_mem>>) attributes {dimension_semantics = [#tpu.dimension_semantics<core_parallel>, #tpu.dimension_semantics<subcore_parallel>], iteration_bounds = array<i64: 2, 16>, scalar_prefetch = 0 : i64, scratch_operands = 10 : i64, tpu.core_type = #tpu.core_type<sc_vector_subcore>, window_params = [{transform_indices = #map}, {transform_indices = #map1}, {transform_indices = #map}]} {
    %mul3A = arith.constant 2 : i32
    %mul3A_0 = arith.muli %arg1, %mul3A : i32
    %add3A = arith.addi %mul3A_0, %arg0 : i32
    %mul3A_1 = arith.constant 256 : i32
    %mul3A_2 = arith.muli %add3A, %mul3A_1 : i32
    "tpu.region"() ({
      %run_scoped3A = tpu.sem_alloc : memref<!tpu.dma_semaphore, #tpu.memory_space<semaphore_mem>>
      %dma_start3A_44 = arith.constant 0 : i32
      %dma_start3A_45 = arith.constant 0 : i32
      %dma_start3A_46 = tpu.memref_slice %arg3[%add3A, %dma_start3A_44, %dma_start3A_45] : memref<32x64x4xi32, #tpu.memory_space<hbm>> -> memref<1x64x4xi32, #tpu.memory_space<hbm>>
      %dma_start3A_47 = tpu.memref_squeeze %dma_start3A_46 : memref<1x64x4xi32, #tpu.memory_space<hbm>> -> memref<64x4xi32, #tpu.memory_space<hbm>>
      %dma_start3A_48 = arith.constant 0 : i32
      %dma_start3A_49 = arith.constant 0 : i32
      %dma_start3A_50 = tpu.memref_slice %arg3[%add3A, %dma_start3A_48, %dma_start3A_49] : memref<32x64x4xi32, #tpu.memory_space<hbm>> -> memref<1x64x4xi32, #tpu.memory_space<hbm>>
      %dma_start3A_51 = tpu.memref_squeeze %dma_start3A_50 : memref<1x64x4xi32, #tpu.memory_space<hbm>> -> memref<64x4xi32, #tpu.memory_space<hbm>>
      tpu.enqueue_dma source(%dma_start3A_51 : memref<64x4xi32, #tpu.memory_space<hbm>>) target(%arg5 : memref<64x4xi32, #tpu.memory_space<vmem>>) target_semaphore(%run_scoped3A : memref<!tpu.dma_semaphore, #tpu.memory_space<semaphore_mem>>)
      %dma_wait3A_52 = arith.constant 0 : i32
      %dma_wait3A_53 = arith.constant 0 : i32
      %dma_wait3A_54 = tpu.memref_slice %arg3[%add3A, %dma_wait3A_52, %dma_wait3A_53] : memref<32x64x4xi32, #tpu.memory_space<hbm>> -> memref<1x64x4xi32, #tpu.memory_space<hbm>>
      %dma_wait3A_55 = tpu.memref_squeeze %dma_wait3A_54 : memref<1x64x4xi32, #tpu.memory_space<hbm>> -> memref<64x4xi32, #tpu.memory_space<hbm>>
      %dma_wait3A_56 = arith.constant 0 : i32
      %dma_wait3A_57 = arith.constant 0 : i32
      %dma_wait3A_58 = tpu.memref_slice %arg3[%add3A, %dma_wait3A_56, %dma_wait3A_57] : memref<32x64x4xi32, #tpu.memory_space<hbm>> -> memref<1x64x4xi32, #tpu.memory_space<hbm>>
      %dma_wait3A_59 = tpu.memref_squeeze %dma_wait3A_58 : memref<1x64x4xi32, #tpu.memory_space<hbm>> -> memref<64x4xi32, #tpu.memory_space<hbm>>
      tpu.wait_dma2 semaphore(%run_scoped3A : memref<!tpu.dma_semaphore, #tpu.memory_space<semaphore_mem>>) src(%dma_wait3A_59 : memref<64x4xi32, #tpu.memory_space<hbm>>) dst(%arg5 : memref<64x4xi32, #tpu.memory_space<vmem>>)
      tpu.yield
    }) : () -> ()
    %dma_start3A = arith.constant 0 : i32
    %dma_start3A_3 = arith.constant 0 : i32
    %dma_start3A_4 = tpu.memref_slice %arg5[%dma_start3A, %dma_start3A_3] : memref<64x4xi32, #tpu.memory_space<vmem>> -> memref<1x4xi32, #tpu.memory_space<vmem>>
    %dma_start3A_5 = tpu.memref_squeeze %dma_start3A_4 : memref<1x4xi32, #tpu.memory_space<vmem>> -> memref<4xi32, #tpu.memory_space<vmem>>
    %dma_start3A_6 = arith.constant 0 : i32
    %dma_start3A_7 = arith.constant 0 : i32
    %dma_start3A_8 = tpu.memref_slice %arg2[%dma_start3A_6, %dma_start3A_7] : memref<8192x8192xf32, #tpu.memory_space<hbm>> -> memref<8192x8192xf32, #tpu.memory_space<hbm>>
    tpu.enqueue_indirect_dma source(%dma_start3A_8 : memref<8192x8192xf32, #tpu.memory_space<hbm>>) target(%arg6 : memref<4x8192xf32, #tpu.memory_space<vmem>>) offsets(%dma_start3A_5 : memref<4xi32, #tpu.memory_space<vmem>>) semaphore(%arg9 : memref<!tpu.dma_semaphore, #tpu.memory_space<semaphore_mem>>)
    %dma_start3A_9 = arith.constant 1 : i32
    %dma_start3A_10 = arith.constant 0 : i32
    %dma_start3A_11 = tpu.memref_slice %arg5[%dma_start3A_9, %dma_start3A_10] : memref<64x4xi32, #tpu.memory_space<vmem>> -> memref<1x4xi32, #tpu.memory_space<vmem>>
    %dma_start3A_12 = tpu.memref_squeeze %dma_start3A_11 : memref<1x4xi32, #tpu.memory_space<vmem>> -> memref<4xi32, #tpu.memory_space<vmem>>
    %dma_start3A_13 = arith.constant 0 : i32
    %dma_start3A_14 = arith.constant 0 : i32
    %dma_start3A_15 = tpu.memref_slice %arg2[%dma_start3A_13, %dma_start3A_14] : memref<8192x8192xf32, #tpu.memory_space<hbm>> -> memref<8192x8192xf32, #tpu.memory_space<hbm>>
    tpu.enqueue_indirect_dma source(%dma_start3A_15 : memref<8192x8192xf32, #tpu.memory_space<hbm>>) target(%arg7 : memref<4x8192xf32, #tpu.memory_space<vmem>>) offsets(%dma_start3A_12 : memref<4xi32, #tpu.memory_space<vmem>>) semaphore(%arg10 : memref<!tpu.dma_semaphore, #tpu.memory_space<semaphore_mem>>)
    %dma_start3A_16 = arith.constant 2 : i32
    %dma_start3A_17 = arith.constant 0 : i32
    %dma_start3A_18 = tpu.memref_slice %arg5[%dma_start3A_16, %dma_start3A_17] : memref<64x4xi32, #tpu.memory_space<vmem>> -> memref<1x4xi32, #tpu.memory_space<vmem>>
    %dma_start3A_19 = tpu.memref_squeeze %dma_start3A_18 : memref<1x4xi32, #tpu.memory_space<vmem>> -> memref<4xi32, #tpu.memory_space<vmem>>
    %dma_start3A_20 = arith.constant 0 : i32
    %dma_start3A_21 = arith.constant 0 : i32
    %dma_start3A_22 = tpu.memref_slice %arg2[%dma_start3A_20, %dma_start3A_21] : memref<8192x8192xf32, #tpu.memory_space<hbm>> -> memref<8192x8192xf32, #tpu.memory_space<hbm>>
    tpu.enqueue_indirect_dma source(%dma_start3A_22 : memref<8192x8192xf32, #tpu.memory_space<hbm>>) target(%arg8 : memref<4x8192xf32, #tpu.memory_space<vmem>>) offsets(%dma_start3A_19 : memref<4xi32, #tpu.memory_space<vmem>>) semaphore(%arg11 : memref<!tpu.dma_semaphore, #tpu.memory_space<semaphore_mem>>)
    %scan3A = arith.constant 0 : i32
    %scan3A_23 = arith.constant 22 : i32
    %scan3A_24 = arith.addi %scan3A, %scan3A_23 : i32
    %scan3A_25 = arith.constant 1 : i32
    scf.for %scan3A_44 = %scan3A to %scan3A_24 step %scan3A_25  : i32 {
      %mul3A_45 = arith.constant 3 : i32
      %mul3A_46 = arith.muli %scan3A_44, %mul3A_45 : i32
      %add3A_47 = arith.constant 0 : i32
      %add3A_48 = arith.addi %add3A_47, %mul3A_46 : i32
      %add3A_49 = arith.constant 0 : i32
      %add3A_50 = arith.addi %add3A_48, %add3A_49 : i32
      %lt3A = arith.constant 64 : i32
      %lt3A_51 = arith.cmpi slt, %add3A_50, %lt3A : i32
      %convert_element_type3A = arith.extui %lt3A_51 : i1 to i32
      %cond3A = arith.constant 0 : i32
      %cond3A_52 = arith.cmpi ne, %convert_element_type3A, %cond3A : i32
      scf.if %cond3A_52 {
        %dma_wait3A_67 = arith.constant 0 : i32
        %dma_wait3A_68 = tpu.memref_slice %arg5[%add3A_50, %dma_wait3A_67] : memref<64x4xi32, #tpu.memory_space<vmem>> -> memref<1x4xi32, #tpu.memory_space<vmem>>
        %dma_wait3A_69 = tpu.memref_squeeze %dma_wait3A_68 : memref<1x4xi32, #tpu.memory_space<vmem>> -> memref<4xi32, #tpu.memory_space<vmem>>
        %dma_wait3A_70 = arith.constant 0 : i32
        %dma_wait3A_71 = arith.constant 0 : i32
        %dma_wait3A_72 = tpu.memref_slice %arg2[%dma_wait3A_70, %dma_wait3A_71] : memref<8192x8192xf32, #tpu.memory_space<hbm>> -> memref<8192x8192xf32, #tpu.memory_space<hbm>>
        tpu.wait_indirect_dma semaphore(%arg9 : memref<!tpu.dma_semaphore, #tpu.memory_space<semaphore_mem>>) src(%dma_wait3A_72 : memref<8192x8192xf32, #tpu.memory_space<hbm>>) dst(%arg6 : memref<4x8192xf32, #tpu.memory_space<vmem>>)
        %mul3A_73 = arith.constant 4 : i32
        %mul3A_74 = arith.muli %add3A_50, %mul3A_73 : i32
        %add3A_75 = arith.addi %mul3A_2, %mul3A_74 : i32
        %dma_start3A_76 = arith.constant 0 : i32
        %dma_start3A_77 = tpu.memref_slice %arg4[%add3A_75, %dma_start3A_76] : memref<8192x8192xf32, #tpu.memory_space<hbm>> -> memref<4x8192xf32, #tpu.memory_space<hbm>>
        %dma_start3A_78 = arith.constant 0 : i32
        %dma_start3A_79 = tpu.memref_slice %arg4[%add3A_75, %dma_start3A_78] : memref<8192x8192xf32, #tpu.memory_space<hbm>> -> memref<4x8192xf32, #tpu.memory_space<hbm>>
        tpu.enqueue_dma source(%arg6 : memref<4x8192xf32, #tpu.memory_space<vmem>>) target(%dma_start3A_79 : memref<4x8192xf32, #tpu.memory_space<hbm>>) target_semaphore(%arg12 : memref<!tpu.dma_semaphore, #tpu.memory_space<semaphore_mem>>)
        %add3A_80 = arith.constant 3 : i32
        %add3A_81 = arith.addi %add3A_50, %add3A_80 : i32
        %lt3A_82 = arith.constant 64 : i32
        %lt3A_83 = arith.cmpi slt, %add3A_81, %lt3A_82 : i32
        %convert_element_type3A_84 = arith.extui %lt3A_83 : i1 to i32
        %cond3A_85 = arith.constant 0 : i32
        %cond3A_86 = arith.cmpi ne, %convert_element_type3A_84, %cond3A_85 : i32
        scf.if %cond3A_86 {
          %dma_wait3A_87 = arith.constant 0 : i32
          %dma_wait3A_88 = tpu.memref_slice %arg4[%add3A_75, %dma_wait3A_87] : memref<8192x8192xf32, #tpu.memory_space<hbm>> -> memref<4x8192xf32, #tpu.memory_space<hbm>>
          %dma_wait3A_89 = arith.constant 0 : i32
          %dma_wait3A_90 = tpu.memref_slice %arg4[%add3A_75, %dma_wait3A_89] : memref<8192x8192xf32, #tpu.memory_space<hbm>> -> memref<4x8192xf32, #tpu.memory_space<hbm>>
          tpu.wait_dma2 semaphore(%arg12 : memref<!tpu.dma_semaphore, #tpu.memory_space<semaphore_mem>>) src(%arg6 : memref<4x8192xf32, #tpu.memory_space<vmem>>) dst(%dma_wait3A_90 : memref<4x8192xf32, #tpu.memory_space<hbm>>)
          %add3A_91 = arith.constant 3 : i32
          %add3A_92 = arith.addi %add3A_50, %add3A_91 : i32
          %dma_start3A_93 = arith.constant 0 : i32
          %dma_start3A_94 = tpu.memref_slice %arg5[%add3A_92, %dma_start3A_93] : memref<64x4xi32, #tpu.memory_space<vmem>> -> memref<1x4xi32, #tpu.memory_space<vmem>>
          %dma_start3A_95 = tpu.memref_squeeze %dma_start3A_94 : memref<1x4xi32, #tpu.memory_space<vmem>> -> memref<4xi32, #tpu.memory_space<vmem>>
          %dma_start3A_96 = arith.constant 0 : i32
          %dma_start3A_97 = arith.constant 0 : i32
          %dma_start3A_98 = tpu.memref_slice %arg2[%dma_start3A_96, %dma_start3A_97] : memref<8192x8192xf32, #tpu.memory_space<hbm>> -> memref<8192x8192xf32, #tpu.memory_space<hbm>>
          tpu.enqueue_indirect_dma source(%dma_start3A_98 : memref<8192x8192xf32, #tpu.memory_space<hbm>>) target(%arg6 : memref<4x8192xf32, #tpu.memory_space<vmem>>) offsets(%dma_start3A_95 : memref<4xi32, #tpu.memory_space<vmem>>) semaphore(%arg9 : memref<!tpu.dma_semaphore, #tpu.memory_space<semaphore_mem>>)
        } else {
        }
      } else {
      }
      %add3A_53 = arith.constant 1 : i32
      %add3A_54 = arith.addi %add3A_48, %add3A_53 : i32
      %lt3A_55 = arith.constant 64 : i32
      %lt3A_56 = arith.cmpi slt, %add3A_54, %lt3A_55 : i32
      %convert_element_type3A_57 = arith.extui %lt3A_56 : i1 to i32
      %cond3A_58 = arith.constant 0 : i32
      %cond3A_59 = arith.cmpi ne, %convert_element_type3A_57, %cond3A_58 : i32
      scf.if %cond3A_59 {
        %dma_wait3A_67 = arith.constant 0 : i32
        %dma_wait3A_68 = tpu.memref_slice %arg5[%add3A_54, %dma_wait3A_67] : memref<64x4xi32, #tpu.memory_space<vmem>> -> memref<1x4xi32, #tpu.memory_space<vmem>>
        %dma_wait3A_69 = tpu.memref_squeeze %dma_wait3A_68 : memref<1x4xi32, #tpu.memory_space<vmem>> -> memref<4xi32, #tpu.memory_space<vmem>>
        %dma_wait3A_70 = arith.constant 0 : i32
        %dma_wait3A_71 = arith.constant 0 : i32
        %dma_wait3A_72 = tpu.memref_slice %arg2[%dma_wait3A_70, %dma_wait3A_71] : memref<8192x8192xf32, #tpu.memory_space<hbm>> -> memref<8192x8192xf32, #tpu.memory_space<hbm>>
        tpu.wait_indirect_dma semaphore(%arg10 : memref<!tpu.dma_semaphore, #tpu.memory_space<semaphore_mem>>) src(%dma_wait3A_72 : memref<8192x8192xf32, #tpu.memory_space<hbm>>) dst(%arg7 : memref<4x8192xf32, #tpu.memory_space<vmem>>)
        %mul3A_73 = arith.constant 4 : i32
        %mul3A_74 = arith.muli %add3A_54, %mul3A_73 : i32
        %add3A_75 = arith.addi %mul3A_2, %mul3A_74 : i32
        %dma_start3A_76 = arith.constant 0 : i32
        %dma_start3A_77 = tpu.memref_slice %arg4[%add3A_75, %dma_start3A_76] : memref<8192x8192xf32, #tpu.memory_space<hbm>> -> memref<4x8192xf32, #tpu.memory_space<hbm>>
        %dma_start3A_78 = arith.constant 0 : i32
        %dma_start3A_79 = tpu.memref_slice %arg4[%add3A_75, %dma_start3A_78] : memref<8192x8192xf32, #tpu.memory_space<hbm>> -> memref<4x8192xf32, #tpu.memory_space<hbm>>
        tpu.enqueue_dma source(%arg7 : memref<4x8192xf32, #tpu.memory_space<vmem>>) target(%dma_start3A_79 : memref<4x8192xf32, #tpu.memory_space<hbm>>) target_semaphore(%arg13 : memref<!tpu.dma_semaphore, #tpu.memory_space<semaphore_mem>>)
        %add3A_80 = arith.constant 3 : i32
        %add3A_81 = arith.addi %add3A_54, %add3A_80 : i32
        %lt3A_82 = arith.constant 64 : i32
        %lt3A_83 = arith.cmpi slt, %add3A_81, %lt3A_82 : i32
        %convert_element_type3A_84 = arith.extui %lt3A_83 : i1 to i32
        %cond3A_85 = arith.constant 0 : i32
        %cond3A_86 = arith.cmpi ne, %convert_element_type3A_84, %cond3A_85 : i32
        scf.if %cond3A_86 {
          %dma_wait3A_87 = arith.constant 0 : i32
          %dma_wait3A_88 = tpu.memref_slice %arg4[%add3A_75, %dma_wait3A_87] : memref<8192x8192xf32, #tpu.memory_space<hbm>> -> memref<4x8192xf32, #tpu.memory_space<hbm>>
          %dma_wait3A_89 = arith.constant 0 : i32
          %dma_wait3A_90 = tpu.memref_slice %arg4[%add3A_75, %dma_wait3A_89] : memref<8192x8192xf32, #tpu.memory_space<hbm>> -> memref<4x8192xf32, #tpu.memory_space<hbm>>
          tpu.wait_dma2 semaphore(%arg13 : memref<!tpu.dma_semaphore, #tpu.memory_space<semaphore_mem>>) src(%arg7 : memref<4x8192xf32, #tpu.memory_space<vmem>>) dst(%dma_wait3A_90 : memref<4x8192xf32, #tpu.memory_space<hbm>>)
          %add3A_91 = arith.constant 3 : i32
          %add3A_92 = arith.addi %add3A_54, %add3A_91 : i32
          %dma_start3A_93 = arith.constant 0 : i32
          %dma_start3A_94 = tpu.memref_slice %arg5[%add3A_92, %dma_start3A_93] : memref<64x4xi32, #tpu.memory_space<vmem>> -> memref<1x4xi32, #tpu.memory_space<vmem>>
          %dma_start3A_95 = tpu.memref_squeeze %dma_start3A_94 : memref<1x4xi32, #tpu.memory_space<vmem>> -> memref<4xi32, #tpu.memory_space<vmem>>
          %dma_start3A_96 = arith.constant 0 : i32
          %dma_start3A_97 = arith.constant 0 : i32
          %dma_start3A_98 = tpu.memref_slice %arg2[%dma_start3A_96, %dma_start3A_97] : memref<8192x8192xf32, #tpu.memory_space<hbm>> -> memref<8192x8192xf32, #tpu.memory_space<hbm>>
          tpu.enqueue_indirect_dma source(%dma_start3A_98 : memref<8192x8192xf32, #tpu.memory_space<hbm>>) target(%arg7 : memref<4x8192xf32, #tpu.memory_space<vmem>>) offsets(%dma_start3A_95 : memref<4xi32, #tpu.memory_space<vmem>>) semaphore(%arg10 : memref<!tpu.dma_semaphore, #tpu.memory_space<semaphore_mem>>)
        } else {
        }
      } else {
      }
      %add3A_60 = arith.constant 2 : i32
      %add3A_61 = arith.addi %add3A_48, %add3A_60 : i32
      %lt3A_62 = arith.constant 64 : i32
      %lt3A_63 = arith.cmpi slt, %add3A_61, %lt3A_62 : i32
      %convert_element_type3A_64 = arith.extui %lt3A_63 : i1 to i32
      %cond3A_65 = arith.constant 0 : i32
      %cond3A_66 = arith.cmpi ne, %convert_element_type3A_64, %cond3A_65 : i32
      scf.if %cond3A_66 {
        %dma_wait3A_67 = arith.constant 0 : i32
        %dma_wait3A_68 = tpu.memref_slice %arg5[%add3A_61, %dma_wait3A_67] : memref<64x4xi32, #tpu.memory_space<vmem>> -> memref<1x4xi32, #tpu.memory_space<vmem>>
        %dma_wait3A_69 = tpu.memref_squeeze %dma_wait3A_68 : memref<1x4xi32, #tpu.memory_space<vmem>> -> memref<4xi32, #tpu.memory_space<vmem>>
        %dma_wait3A_70 = arith.constant 0 : i32
        %dma_wait3A_71 = arith.constant 0 : i32
        %dma_wait3A_72 = tpu.memref_slice %arg2[%dma_wait3A_70, %dma_wait3A_71] : memref<8192x8192xf32, #tpu.memory_space<hbm>> -> memref<8192x8192xf32, #tpu.memory_space<hbm>>
        tpu.wait_indirect_dma semaphore(%arg11 : memref<!tpu.dma_semaphore, #tpu.memory_space<semaphore_mem>>) src(%dma_wait3A_72 : memref<8192x8192xf32, #tpu.memory_space<hbm>>) dst(%arg8 : memref<4x8192xf32, #tpu.memory_space<vmem>>)
        %mul3A_73 = arith.constant 4 : i32
        %mul3A_74 = arith.muli %add3A_61, %mul3A_73 : i32
        %add3A_75 = arith.addi %mul3A_2, %mul3A_74 : i32
        %dma_start3A_76 = arith.constant 0 : i32
        %dma_start3A_77 = tpu.memref_slice %arg4[%add3A_75, %dma_start3A_76] : memref<8192x8192xf32, #tpu.memory_space<hbm>> -> memref<4x8192xf32, #tpu.memory_space<hbm>>
        %dma_start3A_78 = arith.constant 0 : i32
        %dma_start3A_79 = tpu.memref_slice %arg4[%add3A_75, %dma_start3A_78] : memref<8192x8192xf32, #tpu.memory_space<hbm>> -> memref<4x8192xf32, #tpu.memory_space<hbm>>
        tpu.enqueue_dma source(%arg8 : memref<4x8192xf32, #tpu.memory_space<vmem>>) target(%dma_start3A_79 : memref<4x8192xf32, #tpu.memory_space<hbm>>) target_semaphore(%arg14 : memref<!tpu.dma_semaphore, #tpu.memory_space<semaphore_mem>>)
        %add3A_80 = arith.constant 3 : i32
        %add3A_81 = arith.addi %add3A_61, %add3A_80 : i32
        %lt3A_82 = arith.constant 64 : i32
        %lt3A_83 = arith.cmpi slt, %add3A_81, %lt3A_82 : i32
        %convert_element_type3A_84 = arith.extui %lt3A_83 : i1 to i32
        %cond3A_85 = arith.constant 0 : i32
        %cond3A_86 = arith.cmpi ne, %convert_element_type3A_84, %cond3A_85 : i32
        scf.if %cond3A_86 {
          %dma_wait3A_87 = arith.constant 0 : i32
          %dma_wait3A_88 = tpu.memref_slice %arg4[%add3A_75, %dma_wait3A_87] : memref<8192x8192xf32, #tpu.memory_space<hbm>> -> memref<4x8192xf32, #tpu.memory_space<hbm>>
          %dma_wait3A_89 = arith.constant 0 : i32
          %dma_wait3A_90 = tpu.memref_slice %arg4[%add3A_75, %dma_wait3A_89] : memref<8192x8192xf32, #tpu.memory_space<hbm>> -> memref<4x8192xf32, #tpu.memory_space<hbm>>
          tpu.wait_dma2 semaphore(%arg14 : memref<!tpu.dma_semaphore, #tpu.memory_space<semaphore_mem>>) src(%arg8 : memref<4x8192xf32, #tpu.memory_space<vmem>>) dst(%dma_wait3A_90 : memref<4x8192xf32, #tpu.memory_space<hbm>>)
          %add3A_91 = arith.constant 3 : i32
          %add3A_92 = arith.addi %add3A_61, %add3A_91 : i32
          %dma_start3A_93 = arith.constant 0 : i32
          %dma_start3A_94 = tpu.memref_slice %arg5[%add3A_92, %dma_start3A_93] : memref<64x4xi32, #tpu.memory_space<vmem>> -> memref<1x4xi32, #tpu.memory_space<vmem>>
          %dma_start3A_95 = tpu.memref_squeeze %dma_start3A_94 : memref<1x4xi32, #tpu.memory_space<vmem>> -> memref<4xi32, #tpu.memory_space<vmem>>
          %dma_start3A_96 = arith.constant 0 : i32
          %dma_start3A_97 = arith.constant 0 : i32
          %dma_start3A_98 = tpu.memref_slice %arg2[%dma_start3A_96, %dma_start3A_97] : memref<8192x8192xf32, #tpu.memory_space<hbm>> -> memref<8192x8192xf32, #tpu.memory_space<hbm>>
          tpu.enqueue_indirect_dma source(%dma_start3A_98 : memref<8192x8192xf32, #tpu.memory_space<hbm>>) target(%arg8 : memref<4x8192xf32, #tpu.memory_space<vmem>>) offsets(%dma_start3A_95 : memref<4xi32, #tpu.memory_space<vmem>>) semaphore(%arg11 : memref<!tpu.dma_semaphore, #tpu.memory_space<semaphore_mem>>)
        } else {
        }
      } else {
      }
    }
    %scan3A_26 = arith.constant 22 : i32
    %add3A_27 = arith.constant 252 : i32
    %add3A_28 = arith.addi %mul3A_2, %add3A_27 : i32
    %dma_wait3A = arith.constant 0 : i32
    %dma_wait3A_29 = tpu.memref_slice %arg4[%add3A_28, %dma_wait3A] : memref<8192x8192xf32, #tpu.memory_space<hbm>> -> memref<4x8192xf32, #tpu.memory_space<hbm>>
    %dma_wait3A_30 = arith.constant 0 : i32
    %dma_wait3A_31 = tpu.memref_slice %arg4[%add3A_28, %dma_wait3A_30] : memref<8192x8192xf32, #tpu.memory_space<hbm>> -> memref<4x8192xf32, #tpu.memory_space<hbm>>
    tpu.wait_dma2 semaphore(%arg12 : memref<!tpu.dma_semaphore, #tpu.memory_space<semaphore_mem>>) src(%arg6 : memref<4x8192xf32, #tpu.memory_space<vmem>>) dst(%dma_wait3A_31 : memref<4x8192xf32, #tpu.memory_space<hbm>>)
    %add3A_32 = arith.constant 244 : i32
    %add3A_33 = arith.addi %mul3A_2, %add3A_32 : i32
    %dma_wait3A_34 = arith.constant 0 : i32
    %dma_wait3A_35 = tpu.memref_slice %arg4[%add3A_33, %dma_wait3A_34] : memref<8192x8192xf32, #tpu.memory_space<hbm>> -> memref<4x8192xf32, #tpu.memory_space<hbm>>
    %dma_wait3A_36 = arith.constant 0 : i32
    %dma_wait3A_37 = tpu.memref_slice %arg4[%add3A_33, %dma_wait3A_36] : memref<8192x8192xf32, #tpu.memory_space<hbm>> -> memref<4x8192xf32, #tpu.memory_space<hbm>>
    tpu.wait_dma2 semaphore(%arg13 : memref<!tpu.dma_semaphore, #tpu.memory_space<semaphore_mem>>) src(%arg7 : memref<4x8192xf32, #tpu.memory_space<vmem>>) dst(%dma_wait3A_37 : memref<4x8192xf32, #tpu.memory_space<hbm>>)
    %add3A_38 = arith.constant 248 : i32
    %add3A_39 = arith.addi %mul3A_2, %add3A_38 : i32
    %dma_wait3A_40 = arith.constant 0 : i32
    %dma_wait3A_41 = tpu.memref_slice %arg4[%add3A_39, %dma_wait3A_40] : memref<8192x8192xf32, #tpu.memory_space<hbm>> -> memref<4x8192xf32, #tpu.memory_space<hbm>>
    %dma_wait3A_42 = arith.constant 0 : i32
    %dma_wait3A_43 = tpu.memref_slice %arg4[%add3A_39, %dma_wait3A_42] : memref<8192x8192xf32, #tpu.memory_space<hbm>> -> memref<4x8192xf32, #tpu.memory_space<hbm>>
    tpu.wait_dma2 semaphore(%arg14 : memref<!tpu.dma_semaphore, #tpu.memory_space<semaphore_mem>>) src(%arg8 : memref<4x8192xf32, #tpu.memory_space<vmem>>) dst(%dma_wait3A_43 : memref<4x8192xf32, #tpu.memory_space<hbm>>)
    return
  }
}

</mosaic_0001>

<sc_bundles>
// kernel: _sc_gather.3.cloned.1.call-start
scs
__scs_entry_jumppad:
0x0: {  	(pc) =	sbr.rel $0x88, $3  }
0x1: {  	(tag) =	ssettag $0x0;
	lr =	simm.s32 $0x1  }
0x2: {  	[smem:$0x3F9F] =	sst lr;
	_ =	strace $0xD0000000  }
0x3: {  	_ = 	snop  }
0x4: {  	_ = 	snop  }
0x5: {  	_ = 	snop  }
0x6: {  	_ = 	snop  }
0x7: {  	_ = 	snop  }
__scs_overlays_trampoline_lowered:
0x8: {  	[smem:$0x3FAE] =	sst s0  }
0x9: {  	[smem:$0x3FAF] =	sst s1  }
0xa: {  	[smem:$0x3FB0] =	sst s2  }
0xb: {  	[smem:$0x3FB1] =	sst s3  }
0xc: {  	[smem:$0x3FB2] =	sst s4  }
0xd: {  	[smem:$0x3FB3] =	sst s5  }
0xe: {  	[smem:$0x3FB4] =	sst s6  }
0xf: {  	[smem:$0x3FB5] =	sst s7  }
0x10: {  	[smem:$0x3FB6] =	sst s8  }
0x11: {  	[smem:$0x3FB7] =	sst s9;
	s0 =	simm.s32 @!p0 $0x0  }
0x12: {  	s1 =	sld [smem:$0x3F9D];
	s0 =	simm.s32 @p0 $0x1  }
0x13: {  	[smem:$0x3FB8] =	sst s0;
	s0 =	simm.s32 @!p1 $0x0  }
0x14: {  	s2 =	sld [smem:$0x3F9C];
	s0 =	simm.s32 @p1 $0x1  }
0x15: {  	[smem:$0x3FB9] =	sst s0;
	s0 =	simm.s32 @!p2 $0x0  }
0x16: {  	s3 =	sld [smem:$0x3FDB];
	s0 =	simm.s32 @p2 $0x1  }
0x17: {  	s4 =	simm.s32 $0x1BF5;
	[smem:$0x3FBB] =	sst s0  }
0x18: {  	s0 =	sld [smem:$0x3F9E];
	_ =	swait.ge [sflag:s4], $0x0  }
0x19: {  	s7 =	sld [smem:$0x3F9F]  }
0x1a: {  	s8 =	sadd.s32 $0xFFFFE003, lr  }
0x1b: {  	s9 =	sadd.s32 $0xFFFFFEF7, lr;
	s5 =	simm.s32 $0xFFFFFFFF;
	p2 =	slt.u32 s8, $0xFFFFF086  }
0x1c: {  	p1 =	slt.u32 s9, $0xF7A;
	s5 =	simm.s32 @!p2 $0x0  }
0x1d: {  	s5 =	simm.s32 @p1 $0x1;
	p0 =	seq.s32 s7, s2  }
0x1e: {  	s7 =	smul.u32 @!p0 $0xF7A, s2;
	p2 =	seq.s32 @!p0 s5, $0x0  }
0x1f: {  	s9 =	smul.u32 $0xF7A, s1;
	s8 =	simm.s32 @!p0 $0x1BF5;
	p2 =	por !p2, p0  }
0x20: {  	[sflag:s8] =	ssyncset.s32 @!p0 $0xFFFFF086;
	s6 =	sadd.s32 @!p0 s3, s7;
	s7 =	simm.s32 @!p0 $0x108  }
0x21: {  	s3 =	sadd.s32 s3, s9;
	s6 =	sadd.s32 @!p0 $0x88, s6;
	s7 =	simm.s32 @p2 $0x1082  }
0x22: {  	[simem:s7], [sflag:s8] =	dma.local @!p0 [hbm:s6], $0xF7A  }
0x23: {  	s9 =	sor.u32 $0xD0000000, s2;
	s6 =	simm.s32 $0x108;
	_ =	swait.ge @!p0 [sflag:s8], $0x0  }
0x24: {  	s3 =	sadd.s32 $0x88, s3;
	s6 =	simm.s32 @!p1 $0x1082;
	[sflag:s4] =	ssyncset.s32 $0xFFFFF086  }
0x25: {  	[simem:s6], [sflag:s4] =	dma.local [hbm:s3], $0xF7A  }
0x26: {  	[smem:$0x3F9F] =	sst s1;
	(tag) =	ssettag s2;
	_ =	strace s9  }
0x27: {  	s1 =	sld [smem:$0x3FAF]  }
0x28: {  	s2 =	sld [smem:$0x3FB0]  }
0x29: {  	s4 =	sld [smem:$0x3FB2]  }
0x2a: {  	p0 =	seq.s32 s5, $0x0;
	s5 =	sld [smem:$0x3FB3]  }
0x2b: {  	s6 =	sld [smem:$0x3FB4]  }
0x2c: {  	s7 =	sld [smem:$0x3FB5]  }
0x2d: {  	s3 =	simm.s32 $0x108;
	s8 =	sld [smem:$0x3FB6]  }
0x2e: {  	s3 =	simm.s32 @!p0 $0x1082;
	s9 =	sld [smem:$0x3FB7]  }
0x2f: {  	lr =	sadd.s32 s0, s3;
	s0 =	sld [smem:$0x3FAE]  }
0x30: {  	s3 =	sld [smem:$0x3FB1]  }
0x31: {  	[smem:$0x3FBA] =	sst s10  }
0x32: {  	s10 =	sld [smem:$0x3FB8];
	_ =	sdelay $0x3  }
0x33: {  	p0 =	seq.s32 s10, $0x1;
	s10 =	sld [smem:$0x3FBA];
	_ =	sdelay $0x3  }
0x34: {  	[smem:$0x3FBA] =	sst s10  }
0x35: {  	s10 =	sld [smem:$0x3FB9];
	_ =	sdelay $0x3  }
0x36: {  	p1 =	seq.s32 s10, $0x1;
	s10 =	sld [smem:$0x3FBA];
	_ =	sdelay $0x3  }
0x37: {  	[smem:$0x3FBA] =	sst s10  }
0x38: {  	s10 =	sld [smem:$0x3FBB]  }
0x39: {  	_ = 	snop;
	(pc) =	sbr.ind lr, $3  }
0x3a: {  	_ = 	snop  }
0x3b: {  	_ = 	snop  }
0x3c: {  	p2 =	seq.s32 s10, $0x1;
	s10 =	sld [smem:$0x3FBA]  }
0x3d: {  	_ =	shalt  }
0x3e: {  	_ =	shalt  }
0x3f: {  	_ =	shalt  }
0x40: {  	_ =	shalt  }
0x41: {  	_ =	shalt  }
0x42: {  	_ =	shalt  }
0x43: {  	_ =	shalt  }
0x44: {  	_ =	shalt  }
0x45: {  	_ =	shalt  }
0x46: {  	_ =	shalt  }
0x47: {  	_ =	shalt  }
0x48: {  	_ =	shalt  }
0x49: {  	_ =	shalt  }
0x4a: {  	_ =	shalt  }
0x4b: {  	_ =	shalt  }
0x4c: {  	_ =	shalt  }
0x4d: {  	_ =	shalt  }
0x4e: {  	_ =	shalt  }
0x4f: {  	_ =	shalt  }
0x50: {  	_ =	shalt  }
0x51: {  	_ =	shalt  }
0x52: {  	_ =	shalt  }
0x53: {  	_ =	shalt  }
0x54: {  	_ =	shalt  }
0x55: {  	_ =	shalt  }
0x56: {  	_ =	shalt  }
0x57: {  	_ =	shalt  }
0x58: {  	_ =	shalt  }
0x59: {  	_ =	shalt  }
0x5a: {  	_ =	shalt  }
0x5b: {  	_ =	shalt  }
0x5c: {  	_ =	shalt  }
0x5d: {  	_ =	shalt  }
0x5e: {  	_ =	shalt  }
0x5f: {  	_ =	shalt  }
0x60: {  	_ =	shalt  }
0x61: {  	_ =	shalt  }
0x62: {  	_ =	shalt  }
0x63: {  	_ =	shalt  }
0x64: {  	_ =	shalt  }
0x65: {  	_ =	shalt  }
0x66: {  	_ =	shalt  }
0x67: {  	_ =	shalt  }
0x68: {  	_ =	shalt  }
0x69: {  	_ =	shalt  }
0x6a: {  	_ =	shalt  }
0x6b: {  	_ =	shalt  }
0x6c: {  	_ =	shalt  }
0x6d: {  	_ =	shalt  }
0x6e: {  	_ =	shalt  }
0x6f: {  	_ =	shalt  }
0x70: {  	_ =	shalt  }
0x71: {  	_ =	shalt  }
0x72: {  	_ =	shalt  }
0x73: {  	_ =	shalt  }
0x74: {  	_ =	shalt  }
0x75: {  	_ =	shalt  }
0x76: {  	_ =	shalt  }
0x77: {  	_ =	shalt  }
0x78: {  	_ =	shalt  }
0x79: {  	_ =	shalt  }
0x7a: {  	_ =	shalt  }
0x7b: {  	_ =	shalt  }
0x7c: {  	_ =	shalt  }
0x7d: {  	_ =	shalt  }
0x7e: {  	_ =	shalt  }
0x7f: {  	_ =	shalt  }
0x80: {  	_ =	shalt  }
0x81: {  	_ =	shalt  }
0x82: {  	_ =	shalt  }
0x83: {  	_ =	shalt  }
0x84: {  	_ =	shalt  }
0x85: {  	_ =	shalt  }
0x86: {  	_ =	shalt  }
0x87: {  	_ =	shalt  }
.Lfunc_end0:
.L_simem_size_0:
called_computation_lowered:
.L_overlay_start_0:
0x88: {  	s2 =	sld [smem:$0x3FD9]  }
0x89: {  	s3 =	sld [smem:$0x3FFE];
	_ =	sdelay $0x1  }
0x8a: {  	s1 =	srdreg.scid  }
0x8b: {  	s0 =	sand.u32 $0x1, s1  }
0x8c: {  	s17 =	sshll.u32 s0, $0xA;
	s2 =	sadd.s32 s3, s2  }
0x8d: {  	s2 =	sadd.s32 s2, s17  }
0x8e: {  	[smem:$0x3FC6] =	sst s2  }
0x8f: {  	_ = 	snop  }
0x90: {  	s2 =	sld [smem:$0x3FC8]  }
0x91: {  	s18 =	sld [smem:$0x3FD0];
	(tm) =	ssettm $0x1  }
0x92: {  	s4 =	sld [smem:$0x3FFB];
	_ =	sdelay $0x3  }
0x93: {  	_ =	strace s4  }
0x94: {  	s4 =	sld [smem:$0x3FFC];
	_ =	sdelay $0x3  }
0x95: {  	_ =	strace s4  }
0x96: {  	s4 =	sld [smem:$0x3FFD];
	_ =	sdelay $0x3  }
0x97: {  	_ =	strace s4  }
0x98: {  	_ =	strace $0x8FFFFFFF  }
0x99: {  	s19 =	sld [smem:$0x3FDB];
	_ =	sdelay $0x1  }
0x9a: {  	s5 =	simm.s32 $_scs_section_size  }
0x9b: {  	s6 =	simm.s32 $_size__tile_overlayer_lowered;
	s7 =	simm.s32 $_tile_overlayer_lowered  }
0x9c: {  	s22 =	simm.s32 $0x1BFF;
	s21 =	sshll.u32 s7, $0x1;
	s4 =	sadd.s32 s5, s19  }
0x9d: {  	s8 =	simm.s32 $0x0;
	s20 =	sshll.u32 s6, $0x1;
	s6 =	sadd.s32 s21, s4  }
0x9e: {  	[timem:s8], [sflag:s22] =	dma.local [hbm:s6], s20  }
0x9f: {  	_ =	swait.ge [sflag:s22], s20  }
0xa0: {  	s5 =	ssub.s32 $0x0, s20;
	[sflag:s22] =	ssyncset.done $0x0  }
0xa1: {  	[sflag:s22] =	ssyncadd.s32 s5;
	_ =	sdelay $0x1  }
0xa2: {  	s23 =	simm.s32 $0x1B8B  }
0xa3: {  	_ =	swait.ge [sflag:s23], $0x1  }
0xa4: {  	[sflag:s23] =	ssyncset.done $0x0  }
0xa5: {  	s25 =	simm.s32 $0x1B8E;
	s24 =	sld [smem:$0x3FFE];
	[sflag:s23] =	ssyncadd.s32 $0xFFFFFFFF  }
0xa6: {  	s26 =	simm.s32 $execute0_lowered;
	[smem:$0x3FD2] =	sst s25  }
0xa7: {  	s6 =	sshll.u32 s26, $0x1;
	_ =	strace $0x80000046;
	[dreg:$0x1] =	wrdreg $0xFFFFFFFF  }
0xa8: {  	s28 =	simm.s32 $_size_execute0_lowered;
	s4 =	sadd.s32 s4, s6;
	[dreg:$0x0] =	wrdreg $0x0  }
0xa9: {  	s6 =	sshll.u32 s28, $0x1;
	[dreg:$0x2] =	wrdreg s4  }
0xaa: {  	[dreg:$0x3] =	wrdreg s6  }
0xab: {  	[dreg:$0x4] =	wrdreg $0xC0  }
0xac: {  	_ =	task [dreg:s8], $0x5FFFF  }
0xad: {  	[dreg:$0x1] =	wrdreg $0xFFFFFFFF  }
0xae: {  	[dreg:$0x0] =	wrdreg $0x60  }
0xaf: {  	[dreg:$0x2] =	wrdreg s2  }
0xb0: {  	[dreg:$0x3] =	wrdreg s24  }
0xb1: {  	[dreg:$0x4] =	wrdreg s18  }
0xb2: {  	[dreg:$0x5] =	wrdreg $0x9  }
0xb3: {  	_ =	task.clear_ibuf [dreg:s8], $0x6FFFF;
	_ =	strace $0x90000046  }
0xb4: {  	s29 =	simm.s32 $0x9;
	_ =	strace $0x80000048  }
0xb5: {  	_ =	swait.ge [sflag:s29], $0x1  }
0xb6: {  	[sflag:s29] =	ssyncadd.s32 $0xFFFFFFFF  }
0xb7: {  	_ =	strace $0x90000048  }
0xb8: {  	_ =	sfence  }
0xb9: {  	s30 =	sld [smem:$0x0];
	_ =	sdelay $0x2  }
0xba: {  	s31 =	sshll.u32 s1, $0xD;
	s1 =	sshrl.u32 s1, $0x2  }
0xbb: {  	s3 =	sand.u32 $0x4000, s31;
	s1 =	sadd.s32 s1, s30  }
0xbc: {  	s0 =	sor.u32 s3, s0;
	s1 =	sshll.u32 s1, $0x11  }
0xbd: {  	s0 =	sor.u32 s1, s0  }
0xbe: {  	s0 =	sadd.s32 $0x8F2B, s0  }
0xbf: {  	[sflag:s0] =	ssyncadd.remote.s32 $0x1  }
0xc0: {  	_ =	sfence.sel $0xFFFF  }
0xc1: {  	[dreg:$0x0] =	wrdreg $0xFFFFFFFF;
	(pc) =	sbr.abs _section_cstart, $3  }
0xc2: {  	[dreg:$0x1] =	wrdreg $0xFFFFFFFF  }
0xc3: {  	_ =	task.clear_ibuf [dreg:s8], $0x2FFFF;
	_ =	strace $0x9FFFFFFF  }
0xc4: {  	(tm) =	ssettm $0x7FFFFFFF  }
0xc5: {  	_ =	shalt  }
tec
execute0_lowered:
.L_overlay_start_1:
0x0: {  	(tag) =	ssettag $0x1  }
0x1: {  	s1 =	rddreg [dreg:$0x0]  }
0x2: {  	s0 =	rddreg [dreg:$0x1];
	s2 =	srdreg.scid  }
0x3: {  	s4 =	simm.s32 $0x0;
	s21 =	stileid.u32;
	s2 =	sand.u32 $0x1, s2  }
0x4: {  	s3 =	sshll.u32 s21, $0xB;
	[smem:$0x7FF] =	sst s4;
	s7 =	sadd.s32 $0x400, s1  }
0x5: {  	s8 =	sadd.s32 $0x600, s1;
	s9 =	sadd.s32 $0x800, s1;
	s10 =	sadd.s32 $0xA00, s1  }
0x6: {  	s11 =	sadd.s32 $0xC00, s1;
	s12 =	sadd.s32 $0xE00, s1;
	s13 =	sadd.s32 $0x1000, s1  }
0x7: {  	s14 =	sadd.s32 $0x1200, s1;
	s15 =	sadd.s32 $0x1400, s1;
	s16 =	sadd.s32 $0x1600, s1  }
0x8: {  	s17 =	sadd.s32 $0x1800, s1;
	s18 =	sadd.s32 $0x1A00, s1;
	s19 =	sadd.s32 $0x1C00, s1  }
0x9: {  	s20 =	sadd.s32 $0x1E00, s1;
	s30 =	sshll.u32 s21, $0x13;
	s5 =	sshll.u32 s2, $0xA  }
0xa: {  	s21 =	simm.s32 $0x4;
	s6 =	ssub.s32 $0x2, s2;
	s3 =	sor.u32 s5, s3  }
.Ltmp0:
0xb: {  	s28 =	sshrl.u32 s6, $0x1;
	s0 =	sadd.s32 s3, s0;
	(pc) =	sbr.rel .LBB2_1-.Ltmp0, $4  }
0xc: {  	_ =	strace $0x80000047;
	s29 =	ssub.s32 s6, s28;
	s0 =	sadd.s32 $0x400, s0  }
0xd: {  	v0 =	vlaneseq.u32;
	s2 =	sshll.u32 s2, $0x12;
	s31 =	smax.u32 s29, $0x1;
	[dreg:$0x4] =	wrdreg s0  }
0xe: {  	v1 =	vshrl.u32 v0, $0x2;
	s6 =	sadd.s32 $0x200, s1;
	[dreg:$0x5] =	wrdreg s31;
	s0 =	sor.u32 s2, s30  }
0xf: {  	vm0 =	vmmov $0xffff;
	v0 =	vand.u32 $0x3, v0;
	v1 =	vmul.u32 $0x8, v1;
	s3 =	simm.s32 $0x0;
	s2 =	simm.s32 $0x2000;
	[dreg:$0x6] =	wrdreg s0  }
.LBB2_4:
0x10: {  	_ =	swait.ge [sflag:s21], $0x8000  }
0x11: {  	[sflag:s21] =	ssyncset.done $0x0  }
0x12: {  	s0 =	simm.s32 $0x5;
	[sflag:s21] =	ssyncadd.s32 $0xFFFF8000  }
0x13: {  	_ =	swait.ge [sflag:s0], $0x8000  }
0x14: {  	[sflag:s0] =	ssyncset.done $0x0  }
0x15: {  	s31 =	simm.s32 $0x6;
	[sflag:s0] =	ssyncadd.s32 $0xFFFF8000  }
0x16: {  	_ =	swait.ge [sflag:s31], $0x8000  }
0x17: {  	s3 =	rddreg [dreg:$0x7]  }
0x18: {  	s1 =	rddreg [dreg:$0x5];
	s3 =	sadd.s32 $0x1, s3  }
0x19: {  	p0 =	sne.s32 s3, s1  }
.Ltmp1:
0x1a: {  	_ = 	snop;
	(pc) =	sbr.rel @!p0 .LBB2_5-.Ltmp1, $3  }
0x1b: {  	_ =	sdelay $0x1  }
0x1c: {  	[sflag:s31] =	ssyncset.done $0x0  }
0x1d: {  	[sflag:s31] =	ssyncadd.s32 $0xFFFF8000  }
.LBB2_1:
0x1e: {  	[dreg:$0x7] =	wrdreg s3  }
0x1f: {  	s1 =	rddreg [dreg:$0x4];
	s23 =	simm.s32 $0x7  }
0x20: {  	[tilespmem:s4], [sflag:$0x7] =	stream.linear.gather [hbm4b:s1+s4], $0x2000, $0x38;
	[tilespmem:$0x1A000] =	vst v63  }
0x21: {  	_ =	swait.ge [sflag:s23], $0x2000  }
0x22: {  	[sflag:s23] =	ssyncset.done $0x0  }
0x23: {  	[sflag:s23] =	ssyncadd.s32 $0xFFFFE000  }
0x24: {  	v2 =	vld.msk [tilespmem:$0x0], $0xf;
	_ =	sdelay $0x4  }
0x25: {  	v3 =	vshll.u32 v2, $0x6  }
0x26: {  	v2 =	vand.u32 $0x7, v2;
	v3 =	vand.u32 $0xFFFFFE00, v3  }
0x27: {  	v2 =	vor.u32 v2, v3  }
0x28: {  	v2 =	vperm.xlane v2, v0;
	_ =	sdelay $0x1  }
0x29: {  	v2 =	vadd.s32 v1, v2;
	_ =	sdelay $0x3  }
0x2a: {  	s1 =	rddreg [dreg:$0x0]  }
0x2b: {  	[tilespmem:s2], [sflag:$0x1] =	stream.indirect_vreg.gather [hbm4b:s1+s4], $0x80, v2, vm0, $0xb8;
	[tilespmem:$0x1A000] =	vst v63  }
0x2c: {  	s24 =	simm.s32 $0x2800  }
0x2d: {  	[tilespmem:s24], [sflag:$0x1] =	stream.indirect_vreg.gather [hbm4b:s6+s4], $0x80, v2, vm0, $0xb8;
	[tilespmem:$0x1A000] =	vst v63  }
0x2e: {  	s25 =	simm.s32 $0x3000  }
0x2f: {  	[tilespmem:s25], [sflag:$0x1] =	stream.indirect_vreg.gather [hbm4b:s7+s4], $0x80, v2, vm0, $0xb8;
	[tilespmem:$0x1A000] =	vst v63  }
0x30: {  	s26 =	simm.s32 $0x3800  }
0x31: {  	[tilespmem:s26], [sflag:$0x1] =	stream.indirect_vreg.gather [hbm4b:s8+s4], $0x80, v2, vm0, $0xb8;
	[tilespmem:$0x1A000] =	vst v63  }
0x32: {  	s0 =	simm.s32 $0x4000  }
0x33: {  	[tilespmem:s0], [sflag:$0x1] =	stream.indirect_vreg.gather [hbm4b:s9+s4], $0x80, v2, vm0, $0xb8;
	[tilespmem:$0x1A000] =	vst v63  }
0x34: {  	s5 =	simm.s32 $0x4800  }
0x35: {  	[tilespmem:s5], [sflag:$0x1] =	stream.indirect_vreg.gather [hbm4b:s10+s4], $0x80, v2, vm0, $0xb8;
	[tilespmem:$0x1A000] =	vst v63  }
0x36: {  	s22 =	simm.s32 $0x5000  }
0x37: {  	[tilespmem:s22], [sflag:$0x1] =	stream.indirect_vreg.gather [hbm4b:s11+s4], $0x80, v2, vm0, $0xb8;
	[tilespmem:$0x1A000] =	vst v63  }
0x38: {  	s23 =	simm.s32 $0x5800  }
0x39: {  	[tilespmem:s23], [sflag:$0x1] =	stream.indirect_vreg.gather [hbm4b:s12+s4], $0x80, v2, vm0, $0xb8;
	[tilespmem:$0x1A000] =	vst v63  }
0x3a: {  	s24 =	simm.s32 $0x6000  }
0x3b: {  	[tilespmem:s24], [sflag:$0x1] =	stream.indirect_vreg.gather [hbm4b:s13+s4], $0x80, v2, vm0, $0xb8;
	[tilespmem:$0x1A000] =	vst v63  }
0x3c: {  	s25 =	simm.s32 $0x6800  }
0x3d: {  	[tilespmem:s25], [sflag:$0x1] =	stream.indirect_vreg.gather [hbm4b:s14+s4], $0x80, v2, vm0, $0xb8;
	[tilespmem:$0x1A000] =	vst v63  }
0x3e: {  	s26 =	simm.s32 $0x7000  }
0x3f: {  	[tilespmem:s26], [sflag:$0x1] =	stream.indirect_vreg.gather [hbm4b:s15+s4], $0x80, v2, vm0, $0xb8;
	[tilespmem:$0x1A000] =	vst v63  }
0x40: {  	s0 =	simm.s32 $0x7800  }
0x41: {  	[tilespmem:s0], [sflag:$0x1] =	stream.indirect_vreg.gather [hbm4b:s16+s4], $0x80, v2, vm0, $0xb8;
	[tilespmem:$0x1A000] =	vst v63  }
0x42: {  	s5 =	simm.s32 $0x8000  }
0x43: {  	[tilespmem:s5], [sflag:$0x1] =	stream.indirect_vreg.gather [hbm4b:s17+s4], $0x80, v2, vm0, $0xb8;
	[tilespmem:$0x1A000] =	vst v63  }
0x44: {  	s22 =	simm.s32 $0x8800  }
0x45: {  	[tilespmem:s22], [sflag:$0x1] =	stream.indirect_vreg.gather [hbm4b:s18+s4], $0x80, v2, vm0, $0xb8;
	[tilespmem:$0x1A000] =	vst v63  }
0x46: {  	s23 =	simm.s32 $0x9000  }
0x47: {  	[tilespmem:s23], [sflag:$0x1] =	stream.indirect_vreg.gather [hbm4b:s19+s4], $0x80, v2, vm0, $0xb8;
	[tilespmem:$0x1A000] =	vst v63  }
0x48: {  	s24 =	simm.s32 $0x9800  }
0x49: {  	[tilespmem:s24], [sflag:$0x1] =	stream.indirect_vreg.gather [hbm4b:s20+s4], $0x80, v2, vm0, $0xb8;
	[tilespmem:$0x1A000] =	vst v63  }
0x4a: {  	v2 =	vld.msk [tilespmem:$0x80], $0xf;
	_ =	sdelay $0x4  }
0x4b: {  	v3 =	vshll.u32 v2, $0x6  }
0x4c: {  	v2 =	vand.u32 $0x7, v2;
	v3 =	vand.u32 $0xFFFFFE00, v3  }
0x4d: {  	v2 =	vor.u32 v2, v3  }
0x4e: {  	v2 =	vperm.xlane v2, v0;
	_ =	sdelay $0x1  }
0x4f: {  	v2 =	vadd.s32 v1, v2;
	_ =	sdelay $0x3  }
0x50: {  	s25 =	simm.s32 $0xA000  }
0x51: {  	[tilespmem:s25], [sflag:$0x2] =	stream.indirect_vreg.gather [hbm4b:s1+s4], $0x80, v2, vm0, $0xb8;
	[tilespmem:$0x1A000] =	vst v63  }
0x52: {  	s26 =	simm.s32 $0xA800  }
0x53: {  	[tilespmem:s26], [sflag:$0x2] =	stream.indirect_vreg.gather [hbm4b:s6+s4], $0x80, v2, vm0, $0xb8;
	[tilespmem:$0x1A000] =	vst v63  }
0x54: {  	s0 =	simm.s32 $0xB000  }
0x55: {  	[tilespmem:s0], [sflag:$0x2] =	stream.indirect_vreg.gather [hbm4b:s7+s4], $0x80, v2, vm0, $0xb8;
	[tilespmem:$0x1A000] =	vst v63  }
0x56: {  	s5 =	simm.s32 $0xB800  }
0x57: {  	[tilespmem:s5], [sflag:$0x2] =	stream.indirect_vreg.gather [hbm4b:s8+s4], $0x80, v2, vm0, $0xb8;
	[tilespmem:$0x1A000] =	vst v63  }
0x58: {  	s22 =	simm.s32 $0xC000  }
0x59: {  	[tilespmem:s22], [sflag:$0x2] =	stream.indirect_vreg.gather [hbm4b:s9+s4], $0x80, v2, vm0, $0xb8;
	[tilespmem:$0x1A000] =	vst v63  }
0x5a: {  	s23 =	simm.s32 $0xC800  }
0x5b: {  	[tilespmem:s23], [sflag:$0x2] =	stream.indirect_vreg.gather [hbm4b:s10+s4], $0x80, v2, vm0, $0xb8;
	[tilespmem:$0x1A000] =	vst v63  }
0x5c: {  	s24 =	simm.s32 $0xD000  }
0x5d: {  	[tilespmem:s24], [sflag:$0x2] =	stream.indirect_vreg.gather [hbm4b:s11+s4], $0x80, v2, vm0, $0xb8;
	[tilespmem:$0x1A000] =	vst v63  }
0x5e: {  	s25 =	simm.s32 $0xD800  }
0x5f: {  	[tilespmem:s25], [sflag:$0x2] =	stream.indirect_vreg.gather [hbm4b:s12+s4], $0x80, v2, vm0, $0xb8;
	[tilespmem:$0x1A000] =	vst v63  }
0x60: {  	s26 =	simm.s32 $0xE000  }
0x61: {  	[tilespmem:s26], [sflag:$0x2] =	stream.indirect_vreg.gather [hbm4b:s13+s4], $0x80, v2, vm0, $0xb8;
	[tilespmem:$0x1A000] =	vst v63  }
0x62: {  	s0 =	simm.s32 $0xE800  }
0x63: {  	[tilespmem:s0], [sflag:$0x2] =	stream.indirect_vreg.gather [hbm4b:s14+s4], $0x80, v2, vm0, $0xb8;
	[tilespmem:$0x1A000] =	vst v63  }
0x64: {  	s5 =	simm.s32 $0xF000  }
0x65: {  	[tilespmem:s5], [sflag:$0x2] =	stream.indirect_vreg.gather [hbm4b:s15+s4], $0x80, v2, vm0, $0xb8;
	[tilespmem:$0x1A000] =	vst v63  }
0x66: {  	s22 =	simm.s32 $0xF800  }
0x67: {  	[tilespmem:s22], [sflag:$0x2] =	stream.indirect_vreg.gather [hbm4b:s16+s4], $0x80, v2, vm0, $0xb8;
	[tilespmem:$0x1A000] =	vst v63  }
0x68: {  	s23 =	simm.s32 $0x10000  }
0x69: {  	[tilespmem:s23], [sflag:$0x2] =	stream.indirect_vreg.gather [hbm4b:s17+s4], $0x80, v2, vm0, $0xb8;
	[tilespmem:$0x1A000] =	vst v63  }
0x6a: {  	s24 =	simm.s32 $0x10800  }
0x6b: {  	[tilespmem:s24], [sflag:$0x2] =	stream.indirect_vreg.gather [hbm4b:s18+s4], $0x80, v2, vm0, $0xb8;
	[tilespmem:$0x1A000] =	vst v63  }
0x6c: {  	s25 =	simm.s32 $0x11000  }
0x6d: {  	[tilespmem:s25], [sflag:$0x2] =	stream.indirect_vreg.gather [hbm4b:s19+s4], $0x80, v2, vm0, $0xb8;
	[tilespmem:$0x1A000] =	vst v63  }
0x6e: {  	s26 =	simm.s32 $0x11800  }
0x6f: {  	[tilespmem:s26], [sflag:$0x2] =	stream.indirect_vreg.gather [hbm4b:s20+s4], $0x80, v2, vm0, $0xb8;
	[tilespmem:$0x1A000] =	vst v63  }
0x70: {  	v2 =	vld.msk [tilespmem:$0x100], $0xf;
	_ =	sdelay $0x4  }
0x71: {  	v3 =	vshll.u32 v2, $0x6  }
0x72: {  	v2 =	vand.u32 $0x7, v2;
	v3 =	vand.u32 $0xFFFFFE00, v3  }
0x73: {  	v2 =	vor.u32 v2, v3  }
0x74: {  	v2 =	vperm.xlane v2, v0;
	_ =	sdelay $0x1  }
0x75: {  	v2 =	vadd.s32 v1, v2;
	_ =	sdelay $0x3  }
0x76: {  	s0 =	simm.s32 $0x12000  }
0x77: {  	[tilespmem:s0], [sflag:$0x3] =	stream.indirect_vreg.gather [hbm4b:s1+s4], $0x80, v2, vm0, $0xb8;
	[tilespmem:$0x1A000] =	vst v63  }
0x78: {  	s3 =	simm.s32 $0x12800  }
0x79: {  	[tilespmem:s3], [sflag:$0x3] =	stream.indirect_vreg.gather [hbm4b:s6+s4], $0x80, v2, vm0, $0xb8;
	[tilespmem:$0x1A000] =	vst v63  }
0x7a: {  	s5 =	simm.s32 $0x13000  }
0x7b: {  	[tilespmem:s5], [sflag:$0x3] =	stream.indirect_vreg.gather [hbm4b:s7+s4], $0x80, v2, vm0, $0xb8;
	[tilespmem:$0x1A000] =	vst v63  }
0x7c: {  	s22 =	simm.s32 $0x13800  }
0x7d: {  	[tilespmem:s22], [sflag:$0x3] =	stream.indirect_vreg.gather [hbm4b:s8+s4], $0x80, v2, vm0, $0xb8;
	[tilespmem:$0x1A000] =	vst v63  }
0x7e: {  	s23 =	simm.s32 $0x14000  }
0x7f: {  	[tilespmem:s23], [sflag:$0x3] =	stream.indirect_vreg.gather [hbm4b:s9+s4], $0x80, v2, vm0, $0xb8;
	[tilespmem:$0x1A000] =	vst v63  }
0x80: {  	s24 =	simm.s32 $0x14800  }
0x81: {  	[tilespmem:s24], [sflag:$0x3] =	stream.indirect_vreg.gather [hbm4b:s10+s4], $0x80, v2, vm0, $0xb8;
	[tilespmem:$0x1A000] =	vst v63  }
0x82: {  	s25 =	simm.s32 $0x15000  }
0x83: {  	[tilespmem:s25], [sflag:$0x3] =	stream.indirect_vreg.gather [hbm4b:s11+s4], $0x80, v2, vm0, $0xb8;
	[tilespmem:$0x1A000] =	vst v63  }
0x84: {  	s26 =	simm.s32 $0x15800  }
0x85: {  	[tilespmem:s26], [sflag:$0x3] =	stream.indirect_vreg.gather [hbm4b:s12+s4], $0x80, v2, vm0, $0xb8;
	[tilespmem:$0x1A000] =	vst v63  }
0x86: {  	s0 =	simm.s32 $0x16000  }
0x87: {  	[tilespmem:s0], [sflag:$0x3] =	stream.indirect_vreg.gather [hbm4b:s13+s4], $0x80, v2, vm0, $0xb8;
	[tilespmem:$0x1A000] =	vst v63  }
0x88: {  	s3 =	simm.s32 $0x16800  }
0x89: {  	[tilespmem:s3], [sflag:$0x3] =	stream.indirect_vreg.gather [hbm4b:s14+s4], $0x80, v2, vm0, $0xb8;
	[tilespmem:$0x1A000] =	vst v63  }
0x8a: {  	s5 =	simm.s32 $0x17000  }
0x8b: {  	[tilespmem:s5], [sflag:$0x3] =	stream.indirect_vreg.gather [hbm4b:s15+s4], $0x80, v2, vm0, $0xb8;
	[tilespmem:$0x1A000] =	vst v63  }
0x8c: {  	s22 =	simm.s32 $0x17800  }
0x8d: {  	[tilespmem:s22], [sflag:$0x3] =	stream.indirect_vreg.gather [hbm4b:s16+s4], $0x80, v2, vm0, $0xb8;
	[tilespmem:$0x1A000] =	vst v63  }
0x8e: {  	s23 =	simm.s32 $0x18000  }
0x8f: {  	[tilespmem:s23], [sflag:$0x3] =	stream.indirect_vreg.gather [hbm4b:s17+s4], $0x80, v2, vm0, $0xb8;
	[tilespmem:$0x1A000] =	vst v63  }
0x90: {  	s24 =	simm.s32 $0x18800  }
0x91: {  	[tilespmem:s24], [sflag:$0x3] =	stream.indirect_vreg.gather [hbm4b:s18+s4], $0x80, v2, vm0, $0xb8;
	[tilespmem:$0x1A000] =	vst v63  }
0x92: {  	s28 =	simm.s32 $0x280;
	s29 =	simm.s32 $0x0;
	s25 =	simm.s32 $0x19000  }
0x93: {  	[tilespmem:s25], [sflag:$0x3] =	stream.indirect_vreg.gather [hbm4b:s19+s4], $0x80, v2, vm0, $0xb8;
	[tilespmem:$0x1A000] =	vst v63  }
0x94: {  	s30 =	simm.s32 $0x0;
	s31 =	simm.s32 $0x0;
	s26 =	simm.s32 $0x19800  }
0x95: {  	[tilespmem:s26], [sflag:$0x3] =	stream.indirect_vreg.gather [hbm4b:s20+s4], $0x80, v2, vm0, $0xb8;
	[tilespmem:$0x1A000] =	vst v63  }
0x96: {  	s0 =	simm.s32 $0x200;
	s5 =	rddreg [dreg:$0x2];
	s26 =	simm.s32 $0x40  }
.LBB2_2:
0x97: {  	s23 =	simm.s32 $0x1  }
0x98: {  	p0 =	seq.s32 s30, $0x3F000;
	_ =	swait.ge [sflag:s23], $0x8000  }
.Ltmp2:
0x99: {  	s1 =	rddreg [dreg:$0x6];
	(pc) =	sbr.rel @p0 .LBB2_4-.Ltmp2, $4  }
0x9a: {  	s22 =	sand.u32 $0x40, s29;
	s3 =	sadd.s32 s30, s1  }
0x9b: {  	s22 =	sadd.s32 s5, s22;
	[sflag:s23] =	ssyncset.done $0x0;
	s24 =	sand.u32 $0xFFFE000, s3  }
0x9c: {  	[sflag:s23] =	ssyncadd.s32 $0xFFFF8000;
	s23 =	simm.s32 $0x400;
	s24 =	sadd.s32 s24, s22  }
0x9d: {  	[hbm4b:s24+s0] =	stream.strided.scatter [tilespmem:s2], [sflag:$0x4], $0x8000, s23, s0, $0x38;
	[tilespmem:$0x1A000] =	vst v63  }
0x9e: {  	_ =	swait.ge [sflag:s21], $0x8000  }
0x9f: {  	[sflag:s21] =	ssyncset.done $0x0  }
0xa0: {  	[sflag:s21] =	ssyncadd.s32 $0xFFFF8000  }
0xa1: {  	v2 =	vld.msk [tilespmem:s28+$0xFFFFFF00], $0xf;
	_ =	sdelay $0x4  }
0xa2: {  	v3 =	vshll.u32 v2, $0x6  }
0xa3: {  	v2 =	vand.u32 $0x7, v2;
	v3 =	vand.u32 $0xFFFFFE00, v3  }
0xa4: {  	v2 =	vor.u32 v2, v3  }
0xa5: {  	v2 =	vperm.xlane v2, v0;
	_ =	sdelay $0x1  }
0xa6: {  	v2 =	vadd.s32 v1, v2;
	_ =	sdelay $0x3  }
0xa7: {  	s1 =	simm.s32 $0x2000;
	s2 =	rddreg [dreg:$0x0]  }
0xa8: {  	[tilespmem:s1], [sflag:$0x1] =	stream.indirect_vreg.gather [hbm4b:s2+s4], $0x80, v2, vm0, $0xb8;
	[tilespmem:$0x1A000] =	vst v63  }
0xa9: {  	s24 =	simm.s32 $0x2800  }
0xaa: {  	[tilespmem:s24], [sflag:$0x1] =	stream.indirect_vreg.gather [hbm4b:s6+s4], $0x80, v2, vm0, $0xb8;
	[tilespmem:$0x1A000] =	vst v63  }
0xab: {  	s25 =	simm.s32 $0x3000  }
0xac: {  	[tilespmem:s25], [sflag:$0x1] =	stream.indirect_vreg.gather [hbm4b:s7+s4], $0x80, v2, vm0, $0xb8;
	[tilespmem:$0x1A000] =	vst v63  }
0xad: {  	s24 =	simm.s32 $0x3800  }
0xae: {  	[tilespmem:s24], [sflag:$0x1] =	stream.indirect_vreg.gather [hbm4b:s8+s4], $0x80, v2, vm0, $0xb8;
	[tilespmem:$0x1A000] =	vst v63  }
0xaf: {  	s25 =	simm.s32 $0x4000  }
0xb0: {  	[tilespmem:s25], [sflag:$0x1] =	stream.indirect_vreg.gather [hbm4b:s9+s4], $0x80, v2, vm0, $0xb8;
	[tilespmem:$0x1A000] =	vst v63  }
0xb1: {  	s24 =	simm.s32 $0x4800  }
0xb2: {  	[tilespmem:s24], [sflag:$0x1] =	stream.indirect_vreg.gather [hbm4b:s10+s4], $0x80, v2, vm0, $0xb8;
	[tilespmem:$0x1A000] =	vst v63  }
0xb3: {  	s25 =	simm.s32 $0x5000  }
0xb4: {  	[tilespmem:s25], [sflag:$0x1] =	stream.indirect_vreg.gather [hbm4b:s11+s4], $0x80, v2, vm0, $0xb8;
	[tilespmem:$0x1A000] =	vst v63  }
0xb5: {  	s24 =	simm.s32 $0x5800  }
0xb6: {  	[tilespmem:s24], [sflag:$0x1] =	stream.indirect_vreg.gather [hbm4b:s12+s4], $0x80, v2, vm0, $0xb8;
	[tilespmem:$0x1A000] =	vst v63  }
0xb7: {  	s25 =	simm.s32 $0x6000  }
0xb8: {  	[tilespmem:s25], [sflag:$0x1] =	stream.indirect_vreg.gather [hbm4b:s13+s4], $0x80, v2, vm0, $0xb8;
	[tilespmem:$0x1A000] =	vst v63  }
0xb9: {  	s24 =	simm.s32 $0x6800  }
0xba: {  	[tilespmem:s24], [sflag:$0x1] =	stream.indirect_vreg.gather [hbm4b:s14+s4], $0x80, v2, vm0, $0xb8;
	[tilespmem:$0x1A000] =	vst v63  }
0xbb: {  	s25 =	simm.s32 $0x7000  }
0xbc: {  	[tilespmem:s25], [sflag:$0x1] =	stream.indirect_vreg.gather [hbm4b:s15+s4], $0x80, v2, vm0, $0xb8;
	[tilespmem:$0x1A000] =	vst v63  }
0xbd: {  	s24 =	simm.s32 $0x7800  }
0xbe: {  	[tilespmem:s24], [sflag:$0x1] =	stream.indirect_vreg.gather [hbm4b:s16+s4], $0x80, v2, vm0, $0xb8;
	[tilespmem:$0x1A000] =	vst v63  }
0xbf: {  	s25 =	simm.s32 $0x8000  }
0xc0: {  	[tilespmem:s25], [sflag:$0x1] =	stream.indirect_vreg.gather [hbm4b:s17+s4], $0x80, v2, vm0, $0xb8;
	[tilespmem:$0x1A000] =	vst v63  }
0xc1: {  	s24 =	simm.s32 $0x8800  }
0xc2: {  	[tilespmem:s24], [sflag:$0x1] =	stream.indirect_vreg.gather [hbm4b:s18+s4], $0x80, v2, vm0, $0xb8;
	[tilespmem:$0x1A000] =	vst v63  }
0xc3: {  	s25 =	simm.s32 $0x9000  }
0xc4: {  	[tilespmem:s25], [sflag:$0x1] =	stream.indirect_vreg.gather [hbm4b:s19+s4], $0x80, v2, vm0, $0xb8;
	[tilespmem:$0x1A000] =	vst v63  }
0xc5: {  	p0 =	sgt.u32 s31, $0x13;
	s24 =	simm.s32 $0x9800;
	s25 =	simm.s32 $0x2  }
0xc6: {  	[tilespmem:s24], [sflag:$0x1] =	stream.indirect_vreg.gather [hbm4b:s20+s4], $0x80, v2, vm0, $0xb8;
	[tilespmem:$0x1A000] =	vst v63  }
0xc7: {  	s1 =	sand.u32 $0x40, s26;
	s24 =	sadd.s32 $0x1000, s3;
	_ =	swait.ge [sflag:s25], $0x8000  }
0xc8: {  	s1 =	sadd.s32 s5, s1;
	s24 =	sand.u32 $0xFFE000, s24;
	[sflag:s25] =	ssyncset.done $0x0  }
0xc9: {  	s1 =	sadd.s32 s24, s1;
	[sflag:s25] =	ssyncadd.s32 $0xFFFF8000;
	s25 =	simm.s32 $0xA000  }
0xca: {  	[hbm4b:s1+s0] =	stream.strided.scatter [tilespmem:s25], [sflag:$0x5], $0x8000, s23, s0, $0x38;
	[tilespmem:$0x1A000] =	vst v63  }
0xcb: {  	s1 =	simm.s32 @!p0 $0x5  }
0xcc: {  	_ =	swait.ge @!p0 [sflag:s1], $0x8000  }
0xcd: {  	[sflag:s1] =	ssyncset.done @!p0 $0x0  }
0xce: {  	[sflag:s1] =	ssyncadd.s32 @!p0 $0xFFFF8000  }
0xcf: {  	v2 =	vld.msk @!p0 [tilespmem:s28+$0xFFFFFF80], $0xf;
	_ =	sdelay $0x4  }
0xd0: {  	v3 =	vshll.u32 @!p0 v2, $0x6  }
0xd1: {  	v4 =	vlaneseq.u32 @!p0;
	v2 =	vand.u32 @!p0 $0x7, v2;
	v3 =	vand.u32 @!p0 $0xFFFFFE00, v3  }
0xd2: {  	v2 =	vor.u32 @!p0 v2, v3;
	v3 =	vand.u32 @!p0 $0x3, v4;
	v4 =	vshrl.u32 @!p0 v4, $0x2  }
0xd3: {  	v2 =	vperm.xlane @!p0 v2, v3;
	v4 =	vmul.u32 @!p0 $0x8, v4;
	_ =	sdelay $0x1  }
0xd4: {  	v2 =	vadd.s32 @!p0 v4, v2;
	_ =	sdelay $0x3  }
0xd5: {  	vm1 =	vmmov @!p0 $0xffff;
	s24 =	simm.s32 @!p0 $0x0;
	s1 =	simm.s32 @!p0 $0xA000  }
0xd6: {  	[tilespmem:s1], [sflag:$0x2] =	stream.indirect_vreg.gather @!p0 [hbm4b:s2+s24], $0x80, v2, vm1, $0xb8;
	[tilespmem:$0x1A000] =	vst v63  }
0xd7: {  	s1 =	simm.s32 @!p0 $0xA800  }
0xd8: {  	[tilespmem:s1], [sflag:$0x2] =	stream.indirect_vreg.gather @!p0 [hbm4b:s6+s24], $0x80, v2, vm1, $0xb8;
	[tilespmem:$0x1A000] =	vst v63  }
0xd9: {  	s1 =	simm.s32 @!p0 $0xB000  }
0xda: {  	[tilespmem:s1], [sflag:$0x2] =	stream.indirect_vreg.gather @!p0 [hbm4b:s7+s24], $0x80, v2, vm1, $0xb8;
	[tilespmem:$0x1A000] =	vst v63  }
0xdb: {  	s1 =	simm.s32 @!p0 $0xB800  }
0xdc: {  	[tilespmem:s1], [sflag:$0x2] =	stream.indirect_vreg.gather @!p0 [hbm4b:s8+s24], $0x80, v2, vm1, $0xb8;
	[tilespmem:$0x1A000] =	vst v63  }
0xdd: {  	s1 =	simm.s32 @!p0 $0xC000  }
0xde: {  	[tilespmem:s1], [sflag:$0x2] =	stream.indirect_vreg.gather @!p0 [hbm4b:s9+s24], $0x80, v2, vm1, $0xb8;
	[tilespmem:$0x1A000] =	vst v63  }
0xdf: {  	s1 =	simm.s32 @!p0 $0xC800  }
0xe0: {  	[tilespmem:s1], [sflag:$0x2] =	stream.indirect_vreg.gather @!p0 [hbm4b:s10+s24], $0x80, v2, vm1, $0xb8;
	[tilespmem:$0x1A000] =	vst v63  }
0xe1: {  	s1 =	simm.s32 @!p0 $0xD000  }
0xe2: {  	[tilespmem:s1], [sflag:$0x2] =	stream.indirect_vreg.gather @!p0 [hbm4b:s11+s24], $0x80, v2, vm1, $0xb8;
	[tilespmem:$0x1A000] =	vst v63  }
0xe3: {  	s1 =	simm.s32 @!p0 $0xD800  }
0xe4: {  	[tilespmem:s1], [sflag:$0x2] =	stream.indirect_vreg.gather @!p0 [hbm4b:s12+s24], $0x80, v2, vm1, $0xb8;
	[tilespmem:$0x1A000] =	vst v63  }
0xe5: {  	s1 =	simm.s32 @!p0 $0xE000  }
0xe6: {  	[tilespmem:s1], [sflag:$0x2] =	stream.indirect_vreg.gather @!p0 [hbm4b:s13+s24], $0x80, v2, vm1, $0xb8;
	[tilespmem:$0x1A000] =	vst v63  }
0xe7: {  	s1 =	simm.s32 @!p0 $0xE800  }
0xe8: {  	[tilespmem:s1], [sflag:$0x2] =	stream.indirect_vreg.gather @!p0 [hbm4b:s14+s24], $0x80, v2, vm1, $0xb8;
	[tilespmem:$0x1A000] =	vst v63  }
0xe9: {  	s1 =	simm.s32 @!p0 $0xF000  }
0xea: {  	[tilespmem:s1], [sflag:$0x2] =	stream.indirect_vreg.gather @!p0 [hbm4b:s15+s24], $0x80, v2, vm1, $0xb8;
	[tilespmem:$0x1A000] =	vst v63  }
0xeb: {  	s1 =	simm.s32 @!p0 $0xF800  }
0xec: {  	[tilespmem:s1], [sflag:$0x2] =	stream.indirect_vreg.gather @!p0 [hbm4b:s16+s24], $0x80, v2, vm1, $0xb8;
	[tilespmem:$0x1A000] =	vst v63  }
0xed: {  	s1 =	simm.s32 @!p0 $0x10000  }
0xee: {  	[tilespmem:s1], [sflag:$0x2] =	stream.indirect_vreg.gather @!p0 [hbm4b:s17+s24], $0x80, v2, vm1, $0xb8;
	[tilespmem:$0x1A000] =	vst v63  }
0xef: {  	s1 =	simm.s32 @!p0 $0x10800  }
0xf0: {  	[tilespmem:s1], [sflag:$0x2] =	stream.indirect_vreg.gather @!p0 [hbm4b:s18+s24], $0x80, v2, vm1, $0xb8;
	[tilespmem:$0x1A000] =	vst v63  }
0xf1: {  	s1 =	simm.s32 @!p0 $0x11000  }
0xf2: {  	[tilespmem:s1], [sflag:$0x2] =	stream.indirect_vreg.gather @!p0 [hbm4b:s19+s24], $0x80, v2, vm1, $0xb8;
	[tilespmem:$0x1A000] =	vst v63  }
0xf3: {  	s25 =	simm.s32 $0x3;
	s1 =	simm.s32 @!p0 $0x11800  }
0xf4: {  	[tilespmem:s1], [sflag:$0x2] =	stream.indirect_vreg.gather @!p0 [hbm4b:s20+s24], $0x80, v2, vm1, $0xb8;
	[tilespmem:$0x1A000] =	vst v63  }
0xf5: {  	s3 =	sadd.s32 $0x2000, s3;
	_ =	swait.ge [sflag:s25], $0x8000  }
0xf6: {  	s1 =	sand.u32 $0xFFFE000, s3;
	[sflag:s25] =	ssyncset.done $0x0  }
0xf7: {  	s1 =	sadd.s32 s1, s22;
	[sflag:s25] =	ssyncadd.s32 $0xFFFF8000;
	s25 =	simm.s32 $0x12000  }
0xf8: {  	[hbm4b:s1+s0] =	stream.strided.scatter [tilespmem:s25], [sflag:$0x6], $0x8000, s23, s0, $0x38;
	[tilespmem:$0x1A000] =	vst v63  }
0xf9: {  	s1 =	simm.s32 @!p0 $0x6  }
0xfa: {  	_ =	swait.ge @!p0 [sflag:s1], $0x8000  }
0xfb: {  	[sflag:s1] =	ssyncset.done @!p0 $0x0  }
0xfc: {  	[sflag:s1] =	ssyncadd.s32 @!p0 $0xFFFF8000  }
0xfd: {  	v2 =	vld.msk @!p0 [tilespmem:s28+$0x0], $0xf;
	_ =	sdelay $0x4  }
0xfe: {  	v5 =	vshll.u32 @!p0 v2, $0x6  }
0xff: {  	v2 =	vand.u32 @!p0 $0x7, v2;
	v5 =	vand.u32 @!p0 $0xFFFFFE00, v5  }
0x100: {  	v2 =	vor.u32 @!p0 v2, v5  }
0x101: {  	v2 =	vperm.xlane @!p0 v2, v3;
	_ =	sdelay $0x1  }
0x102: {  	v2 =	vadd.s32 @!p0 v4, v2;
	_ =	sdelay $0x3  }
0x103: {  	s1 =	simm.s32 @!p0 $0x12000  }
0x104: {  	[tilespmem:s1], [sflag:$0x3] =	stream.indirect_vreg.gather @!p0 [hbm4b:s2+s24], $0x80, v2, vm1, $0xb8;
	[tilespmem:$0x1A000] =	vst v63  }
0x105: {  	s1 =	simm.s32 @!p0 $0x12800  }
0x106: {  	[tilespmem:s1], [sflag:$0x3] =	stream.indirect_vreg.gather @!p0 [hbm4b:s6+s24], $0x80, v2, vm1, $0xb8;
	[tilespmem:$0x1A000] =	vst v63  }
0x107: {  	s1 =	simm.s32 @!p0 $0x13000  }
0x108: {  	[tilespmem:s1], [sflag:$0x3] =	stream.indirect_vreg.gather @!p0 [hbm4b:s7+s24], $0x80, v2, vm1, $0xb8;
	[tilespmem:$0x1A000] =	vst v63  }
0x109: {  	s1 =	simm.s32 @!p0 $0x13800  }
0x10a: {  	[tilespmem:s1], [sflag:$0x3] =	stream.indirect_vreg.gather @!p0 [hbm4b:s8+s24], $0x80, v2, vm1, $0xb8;
	[tilespmem:$0x1A000] =	vst v63  }
0x10b: {  	s1 =	simm.s32 @!p0 $0x14000  }
0x10c: {  	[tilespmem:s1], [sflag:$0x3] =	stream.indirect_vreg.gather @!p0 [hbm4b:s9+s24], $0x80, v2, vm1, $0xb8;
	[tilespmem:$0x1A000] =	vst v63  }
0x10d: {  	s1 =	simm.s32 @!p0 $0x14800  }
0x10e: {  	[tilespmem:s1], [sflag:$0x3] =	stream.indirect_vreg.gather @!p0 [hbm4b:s10+s24], $0x80, v2, vm1, $0xb8;
	[tilespmem:$0x1A000] =	vst v63  }
0x10f: {  	s1 =	simm.s32 @!p0 $0x15000  }
0x110: {  	[tilespmem:s1], [sflag:$0x3] =	stream.indirect_vreg.gather @!p0 [hbm4b:s11+s24], $0x80, v2, vm1, $0xb8;
	[tilespmem:$0x1A000] =	vst v63  }
0x111: {  	s1 =	simm.s32 @!p0 $0x15800  }
0x112: {  	[tilespmem:s1], [sflag:$0x3] =	stream.indirect_vreg.gather @!p0 [hbm4b:s12+s24], $0x80, v2, vm1, $0xb8;
	[tilespmem:$0x1A000] =	vst v63  }
0x113: {  	s1 =	simm.s32 @!p0 $0x16000  }
0x114: {  	[tilespmem:s1], [sflag:$0x3] =	stream.indirect_vreg.gather @!p0 [hbm4b:s13+s24], $0x80, v2, vm1, $0xb8;
	[tilespmem:$0x1A000] =	vst v63  }
0x115: {  	s1 =	simm.s32 @!p0 $0x16800  }
0x116: {  	[tilespmem:s1], [sflag:$0x3] =	stream.indirect_vreg.gather @!p0 [hbm4b:s14+s24], $0x80, v2, vm1, $0xb8;
	[tilespmem:$0x1A000] =	vst v63  }
0x117: {  	s1 =	simm.s32 @!p0 $0x17000  }
0x118: {  	[tilespmem:s1], [sflag:$0x3] =	stream.indirect_vreg.gather @!p0 [hbm4b:s15+s24], $0x80, v2, vm1, $0xb8;
	[tilespmem:$0x1A000] =	vst v63  }
0x119: {  	s1 =	simm.s32 @!p0 $0x17800  }
0x11a: {  	[tilespmem:s1], [sflag:$0x3] =	stream.indirect_vreg.gather @!p0 [hbm4b:s16+s24], $0x80, v2, vm1, $0xb8;
	[tilespmem:$0x1A000] =	vst v63  }
0x11b: {  	s1 =	simm.s32 @!p0 $0x18000  }
0x11c: {  	[tilespmem:s1], [sflag:$0x3] =	stream.indirect_vreg.gather @!p0 [hbm4b:s17+s24], $0x80, v2, vm1, $0xb8;
	[tilespmem:$0x1A000] =	vst v63  }
0x11d: {  	s1 =	simm.s32 @!p0 $0x18800  }
0x11e: {  	[tilespmem:s1], [sflag:$0x3] =	stream.indirect_vreg.gather @!p0 [hbm4b:s18+s24], $0x80, v2, vm1, $0xb8;
	[tilespmem:$0x1A000] =	vst v63  }
0x11f: {  	s1 =	simm.s32 @!p0 $0x19000  }
0x120: {  	[tilespmem:s1], [sflag:$0x3] =	stream.indirect_vreg.gather @!p0 [hbm4b:s19+s24], $0x80, v2, vm1, $0xb8;
	[tilespmem:$0x1A000] =	vst v63  }
0x121: {  	s30 =	sadd.s32 $0x3000, s30;
	s1 =	simm.s32 @!p0 $0x19800  }
0x122: {  	[tilespmem:s1], [sflag:$0x3] =	stream.indirect_vreg.gather @!p0 [hbm4b:s20+s24], $0x80, v2, vm1, $0xb8;
	[tilespmem:$0x1A000] =	vst v63  }
0x123: {  	p0 =	sne.s32 s30, $0x42000  }
.Ltmp3:
0x124: {  	_ = 	snop;
	(pc) =	sbr.rel @p0 .LBB2_2-.Ltmp3, $4  }
.Ltmp4:
0x125: {  	_ = 	snop;
	(pc) =	sbr.rel @!p0 .LBB2_4-.Ltmp4, $4  }
0x126: {  	_ = 	snop  }
0x127: {  	s31 =	sadd.s32 $0x1, s31;
	s29 =	sadd.s32 $0x40, s29  }
0x128: {  	s26 =	sadd.s32 $0xC0, s26;
	s28 =	sadd.s32 $0x180, s28;
	s2 =	simm.s32 $0x2000  }
0x129: {  	_ = 	snop  }
.LBB2_5:
0x12a: {  	_ =	sfence.sel $0x180000  }
0x12b: {  	[bflag:$0x0] =	sbarrier.arrive $0xFFFF  }
0x12c: {  	_ =	strace $0x90000047  }
0x12d: {  	s0 =	stileid.u32;
	[bflag:$0x2] =	sbarrier.arrive $0xFFFF  }
0x12e: {  	p0 =	sne.s32 s0, $0x0;
	s0 =	rddreg [dreg:$0x3]  }
0x12f: {  	s0 =	sadd.s32 @!p0 $0x100000, s0  }
0x130: {  	[sflag:s0] =	ssyncadd.tile.s32 @!p0 $0x1;
	_ =	shalt  }
.Lfunc_end2:
_tile_overlayer_lowered:
.L_overlay_start_2:
0x131: {  	(tag) =	ssettag $0x2  }
0x132: {  	s0 =	rddreg [dreg:$0x0];
	s2 =	stileid.u32  }
0x133: {  	s1 =	rddreg [dreg:$0x1];
	p0 =	sne.s32 s2, $0x0  }
0x134: {  	s3 =	rddreg [dreg:$0x2];
	[bflag:$0x3] =	sbarrier.arrive $0xFFFF;
	s2 =	simm.s32 @!p0 $0x1C07  }
0x135: {  	[timem:s3], [sflag:s2] =	dma.local @!p0 [hbm:s0], s1  }
0x136: {  	s0 =	simm.s32 @!p0 $0x7  }
0x137: {  	_ =	swait.ge @!p0 [sflag:s0], s1  }
0x138: {  	s1 =	ssub.s32 @!p0 $0x0, s1;
	[sflag:s0] =	ssyncset.done @!p0 $0x0  }
0x139: {  	[sflag:s0] =	ssyncadd.s32 @!p0 s1  }
0x13a: {  	[bflag:$0x3] =	sbarrier.arrive $0xFFFF  }
0x13b: {  	_ =	shalt  }

</sc_bundles>
